<compile_context>
chip_gen: v7x
topology: tpu7x:2x2x1
jax: 0.10.2.dev20260603
libtpu: 0.0.44.dev20260713+nightly
codegen_flags: <defaults>
</compile_context>

<pallas_src>
import jax
import jax.numpy as jnp
from jax import lax
from jax.experimental import pallas as pl
from jax.experimental.pallas import tpu as pltpu
from jax.experimental.pallas import tpu_sc as plsc

_B, _T = 16, 4096
_NS, _L = 16, 16
_NW = _NS
_CHUNK = (_B * _T) // _NW
_ITERS = _CHUNK // _L
_UNROLL = 4
_NACC = 4
_NTAB = 2 * 64 + _B


def _sc_body(preds_hbm, gts_hbm, tab_hbm, out_hbm,
             pred_v, gt_v, tab_v, part_v,
             sem0, sem1, sem2):
    wid = lax.axis_index("s")
    base = wid * _CHUNK
    cp0 = pltpu.async_copy(preds_hbm.at[pl.ds(base, _CHUNK)], pred_v, sem0)
    cp1 = pltpu.async_copy(gts_hbm.at[pl.ds(base, _CHUNK)], gt_v, sem1)
    cp2 = pltpu.async_copy(tab_hbm, tab_v.at[pl.ds(0, _NTAB)], sem2)
    cp2.wait()

    row = wid
    spk = tab_v[pl.ds(128 + row, _L)][0].astype(jnp.int32)
    mean = tab_v[pl.ds(spk, _L)][0]
    std = tab_v[pl.ds(64 + spk, _L)][0]
    cp0.wait()
    cp1.wait()

    def step(i, accs):
        a = list(accs)
        for u in range(_UNROLL):
            off = (i * _UNROLL + u) * _L
            p = pred_v[pl.ds(off, _L)]
            g = gt_v[pl.ds(off, _L)]
            denorm = jnp.where(g != 0.0, mean + std * g, 0.0)
            d = p - denorm
            a[u % _NACC] = a[u % _NACC] + d * d
        return tuple(a)

    z = jnp.zeros((_L,), jnp.float32)
    accs = lax.fori_loop(0, _ITERS // _UNROLL, step, (z,) * _NACC)
    accs = list(accs)
    while len(accs) > 1:
        accs = [accs[j] + accs[j + 1] for j in range(0, len(accs), 2)]
    part_v[...] = accs[0]
    pltpu.sync_copy(part_v, out_hbm.at[pl.ds(wid * _L, _L)])


@jax.jit
def _sc_loss(preds_f, gts_f, tab):
    mesh = plsc.VectorSubcoreMesh(core_axis_name="c", subcore_axis_name="s",
                                  num_cores=1)
    parts = pl.kernel(
        _sc_body,
        out_type=jax.ShapeDtypeStruct((_NW * _L,), jnp.float32),
        mesh=mesh,
        scratch_types=[
            pltpu.VMEM((_CHUNK,), jnp.float32),
            pltpu.VMEM((_CHUNK,), jnp.float32),
            pltpu.VMEM((_NTAB + _L,), jnp.float32),
            pltpu.VMEM((_L,), jnp.float32),
            pltpu.SemaphoreType.DMA,
            pltpu.SemaphoreType.DMA,
            pltpu.SemaphoreType.DMA,
        ],
    )(preds_f, gts_f, tab)
    return parts.sum()


def kernel(preds, gts, spk_ids, id2mean, id2std):
    tab = jnp.concatenate(
        [id2mean, id2std, spk_ids.reshape(-1).astype(jnp.float32)])
    return _sc_loss(preds.reshape(-1), gts.reshape(-1), tab)

# --- scband reference (transcript-rebuilt; emitter-appended) ---
"""Pipeline reference for scband-pitch-mse-85298050498650 (READ-ONLY COPY).

The authoritative reference and input builder live on the scoring server;
editing this copy changes nothing except your own understanding.
"""

import jax, jax.numpy as jnp
import numpy as np

ID2MEAN = np.array([220.5, 180.2, 250.7, 130.4, 300.1, 210.8, 190.3, 240.6, 160.9, 275.2, 205.5, 145.8, 290.3, 170.1, 230.4, 200.7, 185.6, 260.9, 150.2, 310.5, 225.8, 195.1, 245.4, 165.7, 280.0, 215.3, 155.6, 295.9, 175.2, 235.5, 140.8, 265.1, 208.4, 188.7, 255.0, 148.3, 305.6, 222.9, 192.2, 242.5, 162.8, 278.1, 212.4, 152.7, 292.0, 172.3, 232.6, 142.9, 262.2, 206.5, 186.8, 252.1, 146.4, 302.7, 220.0, 197.3, 247.6, 167.9, 282.2, 217.5, 157.8, 297.1, 177.4, 237.7], dtype=np.float32)
ID2STD = np.array([35.2, 28.4, 42.1, 19.7, 55.3, 31.8, 24.6, 47.9, 22.3, 38.5, 29.1, 51.4, 26.7, 44.2, 33.6, 20.9, 36.3, 27.5, 43.8, 18.2, 56.6, 32.9, 25.1, 48.4, 21.7, 39.0, 30.3, 52.6, 23.8, 45.1, 34.4, 17.6, 37.2, 26.5, 41.8, 19.1, 54.4, 31.7, 24.0, 47.3, 22.6, 38.9, 29.2, 50.5, 27.8, 43.1, 33.4, 20.7, 35.0, 28.3, 42.6, 18.9, 53.2, 30.5, 23.8, 46.1, 21.4, 37.7, 28.0, 49.3, 26.6, 44.9, 32.2, 16.5], dtype=np.float32)

def setup_inputs(seed: int = 0):
    key = jax.random.key(seed)
    k1, k2, k3 = jax.random.split(key, 3)
    preds = jax.random.uniform(k1, (16, 4096), dtype=jnp.float32)
    gts = jax.random.uniform(k2, (16, 4096), dtype=jnp.float32)
    spk_ids = jax.random.randint(k3, (16, 1), 0, 64, dtype=jnp.int32)
    return {"preds": preds, "gts": gts, "spk_ids": spk_ids, "id2mean": jnp.asarray(ID2MEAN), "id2std": jnp.asarray(ID2STD)}

def reference(preds, gts, spk_ids, id2mean, id2std):
    pad_idx = -1
    std = jnp.take(id2std, spk_ids, axis=0)   # [B, 1]
    mean = jnp.take(id2mean, spk_ids, axis=0)  # [B, 1]
    mask = (gts != pad_idx).astype(preds.dtype)
    ii = (gts != 0).astype(preds.dtype)
    gts_denorm = (mean + std * gts) * ii
    total_loss = (preds - gts_denorm) ** 2
    return (mask * total_loss).sum()

if __name__ == "__main__":
    import jax
    _d = setup_inputs()
    print(jax.jit(kernel)(*tuple(_d.values())))

</pallas_src>

<mosaic_0001>
#map = affine_map<(d0, d1) -> (0)>
module attributes {stable_mosaic.version = 14 : i64} {
  func.func @_sc_body(%arg0: i32, %arg1: i32, %arg2: memref<65536xf32, #tpu.memory_space<hbm>>, %arg3: memref<65536xf32, #tpu.memory_space<hbm>>, %arg4: memref<144xf32, #tpu.memory_space<hbm>>, %arg5: memref<256xf32, #tpu.memory_space<hbm>>, %arg6: memref<4096xf32, #tpu.memory_space<vmem>>, %arg7: memref<4096xf32, #tpu.memory_space<vmem>>, %arg8: memref<160xf32, #tpu.memory_space<vmem>>, %arg9: memref<16xf32, #tpu.memory_space<vmem>>, %arg10: memref<!tpu.dma_semaphore, #tpu.memory_space<semaphore_mem>>, %arg11: memref<!tpu.dma_semaphore, #tpu.memory_space<semaphore_mem>>, %arg12: memref<!tpu.dma_semaphore, #tpu.memory_space<semaphore_mem>>) attributes {dimension_semantics = [#tpu.dimension_semantics<core_parallel>, #tpu.dimension_semantics<subcore_parallel>], iteration_bounds = array<i64: 1, 16>, scalar_prefetch = 0 : i64, scratch_operands = 7 : i64, tpu.core_type = #tpu.core_type<sc_vector_subcore>, window_params = [{transform_indices = #map}, {transform_indices = #map}, {transform_indices = #map}, {transform_indices = #map}]} {
    %mul3A = arith.constant 4096 : i32
    %mul3A_0 = arith.muli %arg1, %mul3A : i32
    %dma_start3A = tpu.memref_slice %arg2[%mul3A_0] : memref<65536xf32, #tpu.memory_space<hbm>> -> memref<4096xf32, #tpu.memory_space<hbm>>
    %dma_start3A_1 = tpu.memref_slice %arg2[%mul3A_0] : memref<65536xf32, #tpu.memory_space<hbm>> -> memref<4096xf32, #tpu.memory_space<hbm>>
    tpu.enqueue_dma source(%dma_start3A_1 : memref<4096xf32, #tpu.memory_space<hbm>>) target(%arg6 : memref<4096xf32, #tpu.memory_space<vmem>>) target_semaphore(%arg10 : memref<!tpu.dma_semaphore, #tpu.memory_space<semaphore_mem>>)
    %dma_start3A_2 = tpu.memref_slice %arg3[%mul3A_0] : memref<65536xf32, #tpu.memory_space<hbm>> -> memref<4096xf32, #tpu.memory_space<hbm>>
    %dma_start3A_3 = tpu.memref_slice %arg3[%mul3A_0] : memref<65536xf32, #tpu.memory_space<hbm>> -> memref<4096xf32, #tpu.memory_space<hbm>>
    tpu.enqueue_dma source(%dma_start3A_3 : memref<4096xf32, #tpu.memory_space<hbm>>) target(%arg7 : memref<4096xf32, #tpu.memory_space<vmem>>) target_semaphore(%arg11 : memref<!tpu.dma_semaphore, #tpu.memory_space<semaphore_mem>>)
    %dma_start3A_4 = arith.constant 0 : i32
    %dma_start3A_5 = tpu.memref_slice %arg8[%dma_start3A_4] : memref<160xf32, #tpu.memory_space<vmem>> -> memref<144xf32, #tpu.memory_space<vmem>>
    %dma_start3A_6 = arith.constant 0 : i32
    %dma_start3A_7 = tpu.memref_slice %arg8[%dma_start3A_6] : memref<160xf32, #tpu.memory_space<vmem>> -> memref<144xf32, #tpu.memory_space<vmem>>
    tpu.enqueue_dma source(%arg4 : memref<144xf32, #tpu.memory_space<hbm>>) target(%dma_start3A_7 : memref<144xf32, #tpu.memory_space<vmem>>) target_semaphore(%arg12 : memref<!tpu.dma_semaphore, #tpu.memory_space<semaphore_mem>>)
    %dma_wait3A = arith.constant 0 : i32
    %dma_wait3A_8 = tpu.memref_slice %arg8[%dma_wait3A] : memref<160xf32, #tpu.memory_space<vmem>> -> memref<144xf32, #tpu.memory_space<vmem>>
    %dma_wait3A_9 = arith.constant 0 : i32
    %dma_wait3A_10 = tpu.memref_slice %arg8[%dma_wait3A_9] : memref<160xf32, #tpu.memory_space<vmem>> -> memref<144xf32, #tpu.memory_space<vmem>>
    tpu.wait_dma2 semaphore(%arg12 : memref<!tpu.dma_semaphore, #tpu.memory_space<semaphore_mem>>) src(%arg4 : memref<144xf32, #tpu.memory_space<hbm>>) dst(%dma_wait3A_10 : memref<144xf32, #tpu.memory_space<vmem>>)
    %add3A = arith.constant 128 : i32
    %add3A_11 = arith.addi %add3A, %arg1 : i32
    %get3A = arith.index_cast %add3A_11 : i32 to index
    %get3A_12 = tpu.vector_load %arg8[%get3A] {strides = array<i32>} : memref<160xf32, #tpu.memory_space<vmem>>, vector<16xf32>,
    %get3A_13 = vector.shape_cast %get3A_12 : vector<16xf32> to vector<16xf32>
    %slice3A = vector.extract_strided_slice %get3A_13 {offsets = [0], sizes = [1], strides = [1]} : vector<16xf32> to vector<1xf32>
    %squeeze3A = vector.extract %slice3A[0] : f32 from vector<1xf32>
    %convert_element_type3A = arith.fptosi %squeeze3A : f32 to i32
    %get3A_14 = arith.index_cast %convert_element_type3A : i32 to index
    %get3A_15 = tpu.vector_load %arg8[%get3A_14] {strides = array<i32>} : memref<160xf32, #tpu.memory_space<vmem>>, vector<16xf32>,
    %get3A_16 = vector.shape_cast %get3A_15 : vector<16xf32> to vector<16xf32>
    %slice3A_17 = vector.extract_strided_slice %get3A_16 {offsets = [0], sizes = [1], strides = [1]} : vector<16xf32> to vector<1xf32>
    %squeeze3A_18 = vector.extract %slice3A_17[0] : f32 from vector<1xf32>
    %add3A_19 = arith.constant 64 : i32
    %add3A_20 = arith.addi %add3A_19, %convert_element_type3A : i32
    %get3A_21 = arith.index_cast %add3A_20 : i32 to index
    %get3A_22 = tpu.vector_load %arg8[%get3A_21] {strides = array<i32>} : memref<160xf32, #tpu.memory_space<vmem>>, vector<16xf32>,
    %get3A_23 = vector.shape_cast %get3A_22 : vector<16xf32> to vector<16xf32>
    %slice3A_24 = vector.extract_strided_slice %get3A_23 {offsets = [0], sizes = [1], strides = [1]} : vector<16xf32> to vector<1xf32>
    %squeeze3A_25 = vector.extract %slice3A_24[0] : f32 from vector<1xf32>
    %dma_wait3A_26 = tpu.memref_slice %arg2[%mul3A_0] : memref<65536xf32, #tpu.memory_space<hbm>> -> memref<4096xf32, #tpu.memory_space<hbm>>
    %dma_wait3A_27 = tpu.memref_slice %arg2[%mul3A_0] : memref<65536xf32, #tpu.memory_space<hbm>> -> memref<4096xf32, #tpu.memory_space<hbm>>
    tpu.wait_dma2 semaphore(%arg10 : memref<!tpu.dma_semaphore, #tpu.memory_space<semaphore_mem>>) src(%dma_wait3A_27 : memref<4096xf32, #tpu.memory_space<hbm>>) dst(%arg6 : memref<4096xf32, #tpu.memory_space<vmem>>)
    %dma_wait3A_28 = tpu.memref_slice %arg3[%mul3A_0] : memref<65536xf32, #tpu.memory_space<hbm>> -> memref<4096xf32, #tpu.memory_space<hbm>>
    %dma_wait3A_29 = tpu.memref_slice %arg3[%mul3A_0] : memref<65536xf32, #tpu.memory_space<hbm>> -> memref<4096xf32, #tpu.memory_space<hbm>>
    tpu.wait_dma2 semaphore(%arg11 : memref<!tpu.dma_semaphore, #tpu.memory_space<semaphore_mem>>) src(%dma_wait3A_29 : memref<4096xf32, #tpu.memory_space<hbm>>) dst(%arg7 : memref<4096xf32, #tpu.memory_space<vmem>>)
    %broadcast_in_dim3A = arith.constant 0.000000e+00 : f32
    %broadcast_in_dim3A_30 = vector.broadcast %broadcast_in_dim3A : f32 to vector<16xf32>
    %scan3A = arith.constant 0 : i32
    %scan3A_31 = arith.constant 64 : i32
    %scan3A_32 = arith.addi %scan3A, %scan3A_31 : i32
    %scan3A_33 = arith.constant 1 : i32
    %scan3A_34:4 = scf.for %scan3A_44 = %scan3A to %scan3A_32 step %scan3A_33 iter_args(%scan3A_45 = %broadcast_in_dim3A_30, %scan3A_46 = %broadcast_in_dim3A_30, %scan3A_47 = %broadcast_in_dim3A_30, %scan3A_48 = %broadcast_in_dim3A_30) -> (vector<16xf32>, vector<16xf32>, vector<16xf32>, vector<16xf32>)  : i32 {
      %mul3A_49 = arith.constant 4 : i32
      %mul3A_50 = arith.muli %scan3A_44, %mul3A_49 : i32
      %add3A_51 = arith.constant 0 : i32
      %add3A_52 = arith.addi %mul3A_50, %add3A_51 : i32
      %mul3A_53 = arith.constant 16 : i32
      %mul3A_54 = arith.muli %add3A_52, %mul3A_53 : i32
      %get3A_55 = arith.index_cast %mul3A_54 : i32 to index
      %get3A_56 = tpu.vector_load %arg6[%get3A_55] {strides = array<i32>} : memref<4096xf32, #tpu.memory_space<vmem>>, vector<16xf32>,
      %get3A_57 = vector.shape_cast %get3A_56 : vector<16xf32> to vector<16xf32>
      %get3A_58 = arith.index_cast %mul3A_54 : i32 to index
      %get3A_59 = tpu.vector_load %arg7[%get3A_58] {strides = array<i32>} : memref<4096xf32, #tpu.memory_space<vmem>>, vector<16xf32>,
      %get3A_60 = vector.shape_cast %get3A_59 : vector<16xf32> to vector<16xf32>
      %ne3A = arith.constant 0.000000e+00 : f32
      %ne3A_61 = vector.broadcast %ne3A : f32 to vector<16xf32>
      %ne3A_62 = arith.cmpf one, %get3A_60, %ne3A_61 : vector<16xf32>
      %mul3A_63 = vector.broadcast %squeeze3A_25 : f32 to vector<16xf32>
      %mul3A_64 = arith.mulf %mul3A_63, %get3A_60 : vector<16xf32>
      %add3A_65 = vector.broadcast %squeeze3A_18 : f32 to vector<16xf32>
      %add3A_66 = arith.addf %add3A_65, %mul3A_64 : vector<16xf32>
      %jit3A = arith.constant 0.000000e+00 : f32
      %broadcast_in_dim3A_67 = vector.broadcast %jit3A : f32 to vector<16xf32>
      %select_n3A = arith.select %ne3A_62, %add3A_66, %broadcast_in_dim3A_67 : vector<16xi1>, vector<16xf32>
      %sub3A = arith.subf %get3A_57, %select_n3A : vector<16xf32>
      %mul3A_68 = arith.mulf %sub3A, %sub3A : vector<16xf32>
      %add3A_69 = arith.addf %scan3A_45, %mul3A_68 : vector<16xf32>
      %mul3A_70 = arith.constant 4 : i32
      %mul3A_71 = arith.muli %scan3A_44, %mul3A_70 : i32
      %add3A_72 = arith.constant 1 : i32
      %add3A_73 = arith.addi %mul3A_71, %add3A_72 : i32
      %mul3A_74 = arith.constant 16 : i32
      %mul3A_75 = arith.muli %add3A_73, %mul3A_74 : i32
      %get3A_76 = arith.index_cast %mul3A_75 : i32 to index
      %get3A_77 = tpu.vector_load %arg6[%get3A_76] {strides = array<i32>} : memref<4096xf32, #tpu.memory_space<vmem>>, vector<16xf32>,
      %get3A_78 = vector.shape_cast %get3A_77 : vector<16xf32> to vector<16xf32>
      %get3A_79 = arith.index_cast %mul3A_75 : i32 to index
      %get3A_80 = tpu.vector_load %arg7[%get3A_79] {strides = array<i32>} : memref<4096xf32, #tpu.memory_space<vmem>>, vector<16xf32>,
      %get3A_81 = vector.shape_cast %get3A_80 : vector<16xf32> to vector<16xf32>
      %ne3A_82 = arith.constant 0.000000e+00 : f32
      %ne3A_83 = vector.broadcast %ne3A_82 : f32 to vector<16xf32>
      %ne3A_84 = arith.cmpf one, %get3A_81, %ne3A_83 : vector<16xf32>
      %mul3A_85 = vector.broadcast %squeeze3A_25 : f32 to vector<16xf32>
      %mul3A_86 = arith.mulf %mul3A_85, %get3A_81 : vector<16xf32>
      %add3A_87 = vector.broadcast %squeeze3A_18 : f32 to vector<16xf32>
      %add3A_88 = arith.addf %add3A_87, %mul3A_86 : vector<16xf32>
      %jit3A_89 = arith.constant 0.000000e+00 : f32
      %broadcast_in_dim3A_90 = vector.broadcast %jit3A_89 : f32 to vector<16xf32>
      %select_n3A_91 = arith.select %ne3A_84, %add3A_88, %broadcast_in_dim3A_90 : vector<16xi1>, vector<16xf32>
      %sub3A_92 = arith.subf %get3A_78, %select_n3A_91 : vector<16xf32>
      %mul3A_93 = arith.mulf %sub3A_92, %sub3A_92 : vector<16xf32>
      %add3A_94 = arith.addf %scan3A_46, %mul3A_93 : vector<16xf32>
      %mul3A_95 = arith.constant 4 : i32
      %mul3A_96 = arith.muli %scan3A_44, %mul3A_95 : i32
      %add3A_97 = arith.constant 2 : i32
      %add3A_98 = arith.addi %mul3A_96, %add3A_97 : i32
      %mul3A_99 = arith.constant 16 : i32
      %mul3A_100 = arith.muli %add3A_98, %mul3A_99 : i32
      %get3A_101 = arith.index_cast %mul3A_100 : i32 to index
      %get3A_102 = tpu.vector_load %arg6[%get3A_101] {strides = array<i32>} : memref<4096xf32, #tpu.memory_space<vmem>>, vector<16xf32>,
      %get3A_103 = vector.shape_cast %get3A_102 : vector<16xf32> to vector<16xf32>
      %get3A_104 = arith.index_cast %mul3A_100 : i32 to index
      %get3A_105 = tpu.vector_load %arg7[%get3A_104] {strides = array<i32>} : memref<4096xf32, #tpu.memory_space<vmem>>, vector<16xf32>,
      %get3A_106 = vector.shape_cast %get3A_105 : vector<16xf32> to vector<16xf32>
      %ne3A_107 = arith.constant 0.000000e+00 : f32
      %ne3A_108 = vector.broadcast %ne3A_107 : f32 to vector<16xf32>
      %ne3A_109 = arith.cmpf one, %get3A_106, %ne3A_108 : vector<16xf32>
      %mul3A_110 = vector.broadcast %squeeze3A_25 : f32 to vector<16xf32>
      %mul3A_111 = arith.mulf %mul3A_110, %get3A_106 : vector<16xf32>
      %add3A_112 = vector.broadcast %squeeze3A_18 : f32 to vector<16xf32>
      %add3A_113 = arith.addf %add3A_112, %mul3A_111 : vector<16xf32>
      %jit3A_114 = arith.constant 0.000000e+00 : f32
      %broadcast_in_dim3A_115 = vector.broadcast %jit3A_114 : f32 to vector<16xf32>
      %select_n3A_116 = arith.select %ne3A_109, %add3A_113, %broadcast_in_dim3A_115 : vector<16xi1>, vector<16xf32>
      %sub3A_117 = arith.subf %get3A_103, %select_n3A_116 : vector<16xf32>
      %mul3A_118 = arith.mulf %sub3A_117, %sub3A_117 : vector<16xf32>
      %add3A_119 = arith.addf %scan3A_47, %mul3A_118 : vector<16xf32>
      %mul3A_120 = arith.constant 4 : i32
      %mul3A_121 = arith.muli %scan3A_44, %mul3A_120 : i32
      %add3A_122 = arith.constant 3 : i32
      %add3A_123 = arith.addi %mul3A_121, %add3A_122 : i32
      %mul3A_124 = arith.constant 16 : i32
      %mul3A_125 = arith.muli %add3A_123, %mul3A_124 : i32
      %get3A_126 = arith.index_cast %mul3A_125 : i32 to index
      %get3A_127 = tpu.vector_load %arg6[%get3A_126] {strides = array<i32>} : memref<4096xf32, #tpu.memory_space<vmem>>, vector<16xf32>,
      %get3A_128 = vector.shape_cast %get3A_127 : vector<16xf32> to vector<16xf32>
      %get3A_129 = arith.index_cast %mul3A_125 : i32 to index
      %get3A_130 = tpu.vector_load %arg7[%get3A_129] {strides = array<i32>} : memref<4096xf32, #tpu.memory_space<vmem>>, vector<16xf32>,
      %get3A_131 = vector.shape_cast %get3A_130 : vector<16xf32> to vector<16xf32>
      %ne3A_132 = arith.constant 0.000000e+00 : f32
      %ne3A_133 = vector.broadcast %ne3A_132 : f32 to vector<16xf32>
      %ne3A_134 = arith.cmpf one, %get3A_131, %ne3A_133 : vector<16xf32>
      %mul3A_135 = vector.broadcast %squeeze3A_25 : f32 to vector<16xf32>
      %mul3A_136 = arith.mulf %mul3A_135, %get3A_131 : vector<16xf32>
      %add3A_137 = vector.broadcast %squeeze3A_18 : f32 to vector<16xf32>
      %add3A_138 = arith.addf %add3A_137, %mul3A_136 : vector<16xf32>
      %jit3A_139 = arith.constant 0.000000e+00 : f32
      %broadcast_in_dim3A_140 = vector.broadcast %jit3A_139 : f32 to vector<16xf32>
      %select_n3A_141 = arith.select %ne3A_134, %add3A_138, %broadcast_in_dim3A_140 : vector<16xi1>, vector<16xf32>
      %sub3A_142 = arith.subf %get3A_128, %select_n3A_141 : vector<16xf32>
      %mul3A_143 = arith.mulf %sub3A_142, %sub3A_142 : vector<16xf32>
      %add3A_144 = arith.addf %scan3A_48, %mul3A_143 : vector<16xf32>
      scf.yield %add3A_69, %add3A_94, %add3A_119, %add3A_144 : vector<16xf32>, vector<16xf32>, vector<16xf32>, vector<16xf32>
    }
    %scan3A_35 = arith.constant 64 : i32
    %add3A_36 = arith.addf %scan3A_34#0, %scan3A_34#1 : vector<16xf32>
    %add3A_37 = arith.addf %scan3A_34#2, %scan3A_34#3 : vector<16xf32>
    %add3A_38 = arith.addf %add3A_36, %add3A_37 : vector<16xf32>
    %swap3A = arith.constant 0 : index
    %swap3A_39 = tpu.vector_load %arg9[%swap3A] {strides = array<i32>} : memref<16xf32, #tpu.memory_space<vmem>>, vector<16xf32>,
    %swap3A_40 = vector.shape_cast %swap3A_39 : vector<16xf32> to vector<16xf32>
    %swap3A_41 = vector.shape_cast %add3A_38 : vector<16xf32> to vector<16xf32>
    tpu.vector_store %arg9[%swap3A], %swap3A_41 {strides = array<i32>} : memref<16xf32, #tpu.memory_space<vmem>>, vector<16xf32>,
    %mul3A_42 = arith.constant 16 : i32
    %mul3A_43 = arith.muli %arg1, %mul3A_42 : i32
    "tpu.region"() ({
      %run_scoped3A = tpu.sem_alloc : memref<!tpu.dma_semaphore, #tpu.memory_space<semaphore_mem>>
      %dma_start3A_44 = tpu.memref_slice %arg5[%mul3A_43] : memref<256xf32, #tpu.memory_space<hbm>> -> memref<16xf32, #tpu.memory_space<hbm>>
      %dma_start3A_45 = tpu.memref_slice %arg5[%mul3A_43] : memref<256xf32, #tpu.memory_space<hbm>> -> memref<16xf32, #tpu.memory_space<hbm>>
      tpu.enqueue_dma source(%arg9 : memref<16xf32, #tpu.memory_space<vmem>>) target(%dma_start3A_45 : memref<16xf32, #tpu.memory_space<hbm>>) target_semaphore(%run_scoped3A : memref<!tpu.dma_semaphore, #tpu.memory_space<semaphore_mem>>)
      %dma_wait3A_46 = tpu.memref_slice %arg5[%mul3A_43] : memref<256xf32, #tpu.memory_space<hbm>> -> memref<16xf32, #tpu.memory_space<hbm>>
      %dma_wait3A_47 = tpu.memref_slice %arg5[%mul3A_43] : memref<256xf32, #tpu.memory_space<hbm>> -> memref<16xf32, #tpu.memory_space<hbm>>
      tpu.wait_dma2 semaphore(%run_scoped3A : memref<!tpu.dma_semaphore, #tpu.memory_space<semaphore_mem>>) src(%arg9 : memref<16xf32, #tpu.memory_space<vmem>>) dst(%dma_wait3A_47 : memref<16xf32, #tpu.memory_space<hbm>>)
      tpu.yield
    }) : () -> ()
    return
  }
}

</mosaic_0001>

<sc_bundles>
// kernel: _sc_loss.3.cloned.1.call-start
scs
__scs_entry_jumppad:
0x0: {  	(pc) =	sbr.rel $0x88, $3  }
0x1: {  	(tag) =	ssettag $0x0;
	lr =	simm.s32 $0x1  }
0x2: {  	[smem:$0x3F9E] =	sst lr;
	_ =	strace $0xD0000000  }
0x3: {  	_ = 	snop  }
0x4: {  	_ = 	snop  }
0x5: {  	_ = 	snop  }
0x6: {  	_ = 	snop  }
0x7: {  	_ = 	snop  }
__scs_overlays_trampoline_lowered:
0x8: {  	[smem:$0x3FAD] =	sst s0  }
0x9: {  	[smem:$0x3FAE] =	sst s1  }
0xa: {  	[smem:$0x3FAF] =	sst s2  }
0xb: {  	[smem:$0x3FB0] =	sst s3  }
0xc: {  	[smem:$0x3FB1] =	sst s4  }
0xd: {  	[smem:$0x3FB2] =	sst s5  }
0xe: {  	[smem:$0x3FB3] =	sst s6  }
0xf: {  	[smem:$0x3FB4] =	sst s7  }
0x10: {  	[smem:$0x3FB5] =	sst s8  }
0x11: {  	[smem:$0x3FB6] =	sst s9;
	s0 =	simm.s32 @!p0 $0x0  }
0x12: {  	s1 =	sld [smem:$0x3F9C];
	s0 =	simm.s32 @p0 $0x1  }
0x13: {  	[smem:$0x3FB7] =	sst s0;
	s0 =	simm.s32 @!p1 $0x0  }
0x14: {  	s2 =	sld [smem:$0x3F9B];
	s0 =	simm.s32 @p1 $0x1  }
0x15: {  	[smem:$0x3FB8] =	sst s0;
	s0 =	simm.s32 @!p2 $0x0  }
0x16: {  	s3 =	sld [smem:$0x3FDB];
	s0 =	simm.s32 @p2 $0x1  }
0x17: {  	s4 =	simm.s32 $0x1BF5;
	[smem:$0x3FBA] =	sst s0  }
0x18: {  	s0 =	sld [smem:$0x3F9D];
	_ =	swait.ge [sflag:s4], $0x0  }
0x19: {  	s7 =	sld [smem:$0x3F9E]  }
0x1a: {  	s8 =	sadd.s32 $0xFFFFE003, lr  }
0x1b: {  	s9 =	sadd.s32 $0xFFFFFEF7, lr;
	s5 =	simm.s32 $0xFFFFFFFF;
	p2 =	slt.u32 s8, $0xFFFFF086  }
0x1c: {  	p1 =	slt.u32 s9, $0xF7A;
	s5 =	simm.s32 @!p2 $0x0  }
0x1d: {  	s5 =	simm.s32 @p1 $0x1;
	p0 =	seq.s32 s7, s2  }
0x1e: {  	s7 =	smul.u32 @!p0 $0xF7A, s2;
	p2 =	seq.s32 @!p0 s5, $0x0  }
0x1f: {  	s9 =	smul.u32 $0xF7A, s1;
	s8 =	simm.s32 @!p0 $0x1BF5;
	p2 =	por !p2, p0  }
0x20: {  	[sflag:s8] =	ssyncset.s32 @!p0 $0xFFFFF086;
	s6 =	sadd.s32 @!p0 s3, s7;
	s7 =	simm.s32 @!p0 $0x108  }
0x21: {  	s3 =	sadd.s32 s3, s9;
	s6 =	sadd.s32 @!p0 $0x88, s6;
	s7 =	simm.s32 @p2 $0x1082  }
0x22: {  	[simem:s7], [sflag:s8] =	dma.local @!p0 [hbm:s6], $0xF7A  }
0x23: {  	s9 =	sor.u32 $0xD0000000, s2;
	s6 =	simm.s32 $0x108;
	_ =	swait.ge @!p0 [sflag:s8], $0x0  }
0x24: {  	s3 =	sadd.s32 $0x88, s3;
	s6 =	simm.s32 @!p1 $0x1082;
	[sflag:s4] =	ssyncset.s32 $0xFFFFF086  }
0x25: {  	[simem:s6], [sflag:s4] =	dma.local [hbm:s3], $0xF7A  }
0x26: {  	[smem:$0x3F9E] =	sst s1;
	(tag) =	ssettag s2;
	_ =	strace s9  }
0x27: {  	s1 =	sld [smem:$0x3FAE]  }
0x28: {  	s2 =	sld [smem:$0x3FAF]  }
0x29: {  	s4 =	sld [smem:$0x3FB1]  }
0x2a: {  	p0 =	seq.s32 s5, $0x0;
	s5 =	sld [smem:$0x3FB2]  }
0x2b: {  	s6 =	sld [smem:$0x3FB3]  }
0x2c: {  	s7 =	sld [smem:$0x3FB4]  }
0x2d: {  	s3 =	simm.s32 $0x108;
	s8 =	sld [smem:$0x3FB5]  }
0x2e: {  	s3 =	simm.s32 @!p0 $0x1082;
	s9 =	sld [smem:$0x3FB6]  }
0x2f: {  	lr =	sadd.s32 s0, s3;
	s0 =	sld [smem:$0x3FAD]  }
0x30: {  	s3 =	sld [smem:$0x3FB0]  }
0x31: {  	[smem:$0x3FB9] =	sst s10  }
0x32: {  	s10 =	sld [smem:$0x3FB7];
	_ =	sdelay $0x3  }
0x33: {  	p0 =	seq.s32 s10, $0x1;
	s10 =	sld [smem:$0x3FB9];
	_ =	sdelay $0x3  }
0x34: {  	[smem:$0x3FB9] =	sst s10  }
0x35: {  	s10 =	sld [smem:$0x3FB8];
	_ =	sdelay $0x3  }
0x36: {  	p1 =	seq.s32 s10, $0x1;
	s10 =	sld [smem:$0x3FB9];
	_ =	sdelay $0x3  }
0x37: {  	[smem:$0x3FB9] =	sst s10  }
0x38: {  	s10 =	sld [smem:$0x3FBA]  }
0x39: {  	_ = 	snop;
	(pc) =	sbr.ind lr, $3  }
0x3a: {  	_ = 	snop  }
0x3b: {  	_ = 	snop  }
0x3c: {  	p2 =	seq.s32 s10, $0x1;
	s10 =	sld [smem:$0x3FB9]  }
0x3d: {  	_ =	shalt  }
0x3e: {  	_ =	shalt  }
0x3f: {  	_ =	shalt  }
0x40: {  	_ =	shalt  }
0x41: {  	_ =	shalt  }
0x42: {  	_ =	shalt  }
0x43: {  	_ =	shalt  }
0x44: {  	_ =	shalt  }
0x45: {  	_ =	shalt  }
0x46: {  	_ =	shalt  }
0x47: {  	_ =	shalt  }
0x48: {  	_ =	shalt  }
0x49: {  	_ =	shalt  }
0x4a: {  	_ =	shalt  }
0x4b: {  	_ =	shalt  }
0x4c: {  	_ =	shalt  }
0x4d: {  	_ =	shalt  }
0x4e: {  	_ =	shalt  }
0x4f: {  	_ =	shalt  }
0x50: {  	_ =	shalt  }
0x51: {  	_ =	shalt  }
0x52: {  	_ =	shalt  }
0x53: {  	_ =	shalt  }
0x54: {  	_ =	shalt  }
0x55: {  	_ =	shalt  }
0x56: {  	_ =	shalt  }
0x57: {  	_ =	shalt  }
0x58: {  	_ =	shalt  }
0x59: {  	_ =	shalt  }
0x5a: {  	_ =	shalt  }
0x5b: {  	_ =	shalt  }
0x5c: {  	_ =	shalt  }
0x5d: {  	_ =	shalt  }
0x5e: {  	_ =	shalt  }
0x5f: {  	_ =	shalt  }
0x60: {  	_ =	shalt  }
0x61: {  	_ =	shalt  }
0x62: {  	_ =	shalt  }
0x63: {  	_ =	shalt  }
0x64: {  	_ =	shalt  }
0x65: {  	_ =	shalt  }
0x66: {  	_ =	shalt  }
0x67: {  	_ =	shalt  }
0x68: {  	_ =	shalt  }
0x69: {  	_ =	shalt  }
0x6a: {  	_ =	shalt  }
0x6b: {  	_ =	shalt  }
0x6c: {  	_ =	shalt  }
0x6d: {  	_ =	shalt  }
0x6e: {  	_ =	shalt  }
0x6f: {  	_ =	shalt  }
0x70: {  	_ =	shalt  }
0x71: {  	_ =	shalt  }
0x72: {  	_ =	shalt  }
0x73: {  	_ =	shalt  }
0x74: {  	_ =	shalt  }
0x75: {  	_ =	shalt  }
0x76: {  	_ =	shalt  }
0x77: {  	_ =	shalt  }
0x78: {  	_ =	shalt  }
0x79: {  	_ =	shalt  }
0x7a: {  	_ =	shalt  }
0x7b: {  	_ =	shalt  }
0x7c: {  	_ =	shalt  }
0x7d: {  	_ =	shalt  }
0x7e: {  	_ =	shalt  }
0x7f: {  	_ =	shalt  }
0x80: {  	_ =	shalt  }
0x81: {  	_ =	shalt  }
0x82: {  	_ =	shalt  }
0x83: {  	_ =	shalt  }
0x84: {  	_ =	shalt  }
0x85: {  	_ =	shalt  }
0x86: {  	_ =	shalt  }
0x87: {  	_ =	shalt  }
.Lfunc_end0:
.L_simem_size_0:
called_computation_lowered:
.L_overlay_start_0:
0x88: {  	s0 =	sld [smem:$0x3FD9]  }
0x89: {  	s1 =	sld [smem:$0x3FFE];
	_ =	sdelay $0x3  }
0x8a: {  	s0 =	sadd.s32 s1, s0  }
0x8b: {  	[smem:$0x3FC5] =	sst s0  }
0x8c: {  	_ = 	snop  }
0x8d: {  	s0 =	sld [smem:$0x3FC9]  }
0x8e: {  	s16 =	sld [smem:$0x3FC8]  }
0x8f: {  	s2 =	sld [smem:$0x3FC7];
	(tm) =	ssettm $0x1  }
0x90: {  	s3 =	sld [smem:$0x3FFB];
	_ =	sdelay $0x3  }
0x91: {  	_ =	strace s3  }
0x92: {  	s3 =	sld [smem:$0x3FFC];
	_ =	sdelay $0x3  }
0x93: {  	_ =	strace s3  }
0x94: {  	s3 =	sld [smem:$0x3FFD];
	_ =	sdelay $0x3  }
0x95: {  	_ =	strace s3  }
0x96: {  	_ =	strace $0x8FFFFFFF  }
0x97: {  	s17 =	sld [smem:$0x3FDB];
	_ =	sdelay $0x1  }
0x98: {  	s4 =	simm.s32 $_scs_section_size  }
0x99: {  	s5 =	simm.s32 $_size__tile_overlayer_lowered;
	s6 =	simm.s32 $_tile_overlayer_lowered  }
0x9a: {  	s20 =	simm.s32 $0x1BFF;
	s19 =	sshll.u32 s6, $0x1;
	s3 =	sadd.s32 s4, s17  }
0x9b: {  	s7 =	simm.s32 $0x0;
	s18 =	sshll.u32 s5, $0x1;
	s5 =	sadd.s32 s19, s3  }
0x9c: {  	[timem:s7], [sflag:s20] =	dma.local [hbm:s5], s18  }
0x9d: {  	_ =	swait.ge [sflag:s20], s18  }
0x9e: {  	s4 =	ssub.s32 $0x0, s18;
	[sflag:s20] =	ssyncset.done $0x0  }
0x9f: {  	[sflag:s20] =	ssyncadd.s32 s4;
	_ =	sdelay $0x1  }
0xa0: {  	s21 =	simm.s32 $0x1B8B  }
0xa1: {  	_ =	swait.ge [sflag:s21], $0x1  }
0xa2: {  	[sflag:s21] =	ssyncset.done $0x0  }
0xa3: {  	s23 =	simm.s32 $0x1B8E;
	s22 =	sld [smem:$0x3FFE];
	[sflag:s21] =	ssyncadd.s32 $0xFFFFFFFF  }
0xa4: {  	s24 =	simm.s32 $execute0_lowered;
	[smem:$0x3FD2] =	sst s23  }
0xa5: {  	s5 =	sshll.u32 s24, $0x1;
	_ =	strace $0x80000046;
	[dreg:$0x1] =	wrdreg $0xFFFFFFFF  }
0xa6: {  	s25 =	simm.s32 $_size_execute0_lowered;
	s3 =	sadd.s32 s3, s5;
	[dreg:$0x0] =	wrdreg $0x0  }
0xa7: {  	s5 =	sshll.u32 s25, $0x1;
	[dreg:$0x2] =	wrdreg s3  }
0xa8: {  	[dreg:$0x3] =	wrdreg s5  }
0xa9: {  	[dreg:$0x4] =	wrdreg $0xC0  }
0xaa: {  	_ =	task [dreg:s7], $0x5FFFF  }
0xab: {  	[dreg:$0x1] =	wrdreg $0xFFFFFFFF  }
0xac: {  	[dreg:$0x0] =	wrdreg $0x60  }
0xad: {  	[dreg:$0x2] =	wrdreg s0  }
0xae: {  	[dreg:$0x3] =	wrdreg s16  }
0xaf: {  	[dreg:$0x4] =	wrdreg s2  }
0xb0: {  	[dreg:$0x5] =	wrdreg s22  }
0xb1: {  	[dreg:$0x6] =	wrdreg $0x9  }
0xb2: {  	_ =	task.clear_ibuf [dreg:s7], $0x7FFFF;
	_ =	strace $0x90000046  }
0xb3: {  	s26 =	simm.s32 $0x9;
	_ =	strace $0x80000048  }
0xb4: {  	_ =	swait.ge [sflag:s26], $0x1  }
0xb5: {  	[sflag:s26] =	ssyncadd.s32 $0xFFFFFFFF  }
0xb6: {  	_ =	strace $0x90000048  }
0xb7: {  	_ =	sfence  }
0xb8: {  	s28 =	sld [smem:$0x0];
	_ =	sdelay $0x1  }
0xb9: {  	s29 =	srdreg.scid  }
0xba: {  	s30 =	sshll.u32 s29, $0xD;
	s31 =	sshrl.u32 s29, $0x2  }
0xbb: {  	s1 =	sand.u32 $0x1, s29;
	s2 =	sand.u32 $0x4000, s30;
	s0 =	sadd.s32 s31, s28  }
0xbc: {  	s1 =	sor.u32 s2, s1;
	s0 =	sshll.u32 s0, $0x11  }
0xbd: {  	s0 =	sor.u32 s0, s1  }
0xbe: {  	s0 =	sadd.s32 $0x8F2B, s0  }
0xbf: {  	[sflag:s0] =	ssyncadd.remote.s32 $0x1  }
0xc0: {  	_ =	sfence.sel $0xFFFF  }
0xc1: {  	[dreg:$0x0] =	wrdreg $0xFFFFFFFF;
	(pc) =	sbr.abs _section_cstart, $3  }
0xc2: {  	[dreg:$0x1] =	wrdreg $0xFFFFFFFF  }
0xc3: {  	_ =	task.clear_ibuf [dreg:s7], $0x2FFFF;
	_ =	strace $0x9FFFFFFF  }
0xc4: {  	(tm) =	ssettm $0x7FFFFFFF  }
0xc5: {  	_ =	shalt  }
tec
execute0_lowered:
.L_overlay_start_1:
0x0: {  	(tag) =	ssettag $0x1  }
0x1: {  	s3 =	rddreg [dreg:$0x0]  }
0x2: {  	s4 =	rddreg [dreg:$0x1]  }
0x3: {  	s5 =	rddreg [dreg:$0x2]  }
0x4: {  	s2 =	rddreg [dreg:$0x3];
	s6 =	simm.s32 $0x0;
	s1 =	stileid.u32  }
0x5: {  	[smem:$0x7FF] =	sst s6;
	s7 =	sshll.u32 s1, $0x9  }
0x6: {  	s0 =	rddreg [dreg:$0x4];
	_ =	strace $0x80000047;
	s3 =	sadd.s32 s3, s7  }
0x7: {  	[tilespmem:s6], [sflag:$0x1] =	stream.linear.gather [hbm4b:s3+s6], $0x1000, $0x38;
	[tilespmem:$0x2180] =	vst v63  }
0x8: {  	s23 =	simm.s32 $0x1000;
	s22 =	sadd.s32 s4, s7  }
0x9: {  	[tilespmem:s23], [sflag:$0x2] =	stream.linear.gather [hbm4b:s22+s6], $0x1000, $0x38;
	[tilespmem:$0x2180] =	vst v63  }
0xa: {  	s24 =	simm.s32 $0x2000;
	s25 =	simm.s32 $0x3  }
0xb: {  	[tilespmem:s24], [sflag:$0x3] =	stream.linear.gather [hbm4b:s5+s6], $0x90, $0x38;
	[tilespmem:$0x2180] =	vst v63  }
0xc: {  	_ =	swait.ge [sflag:s25], $0x90  }
0xd: {  	[sflag:s25] =	ssyncset.done $0x0  }
0xe: {  	[sflag:s25] =	ssyncadd.s32 $0xFFFFFF70  }
0xf: {  	v0 =	vld [tilespmem:s1+$0x2080];
	_ =	sdelay $0x4  }
0x10: {  	(v2sf) =	vpush v0, $0x0;
	_ =	sdelay $0xe  }
0x11: {  	s26 =	spop (v2sf)  }
0x12: {  	s3 =	scvt.f32.s32 s26;
	_ =	sdelay $0x1  }
0x13: {  	s28 =	simm.s32 $0x1;
	v1 =	vld.msk [tilespmem:s3+$0x2040 ss:$0x0], $0xffff  }
0x14: {  	v0 =	vld.msk [tilespmem:s3+$0x2000 ss:$0x0], $0xffff;
	_ =	swait.ge [sflag:s28], $0x1000  }
0x15: {  	[sflag:s28] =	ssyncset.done $0x0  }
0x16: {  	s29 =	simm.s32 $0x2;
	[sflag:s28] =	ssyncadd.s32 $0xFFFFF000  }
0x17: {  	_ =	swait.ge [sflag:s29], $0x1000  }
0x18: {  	[sflag:s29] =	ssyncset.done $0x0  }
0x19: {  	s30 =	simm.s32 $0x0;
	[sflag:s29] =	ssyncadd.s32 $0xFFFFF000  }
0x1a: {  	v3 =	vld [tilespmem:s30+$0x1030]  }
0x1b: {  	v4 =	vld [tilespmem:s30+$0x1000];
	_ =	sdelay $0x1  }
0x1c: {  	s31 =	simm.s32 $0x40;
	v6 =	vld [tilespmem:s30+$0x1020]  }
0x1d: {  	v14 =	vld [tilespmem:s31+$0x1020]  }
0x1e: {  	v5 =	vld [tilespmem:s30+$0x1010]  }
0x1f: {  	v2 =	vimm.f32 $0.0e+00;
	v8 =	vmul.f32 v3, v1;
	vm0 =	vlt.f32 v4, $0.0e+00  }
0x20: {  	v7 =	vld [tilespmem:s30+$0x30];
	vm1 =	vgt.f32 v4, $0.0e+00;
	v4 =	vmul.f32 v4, v1;
	vm2 =	vlt.f32 v3, $0.0e+00  }
0x21: {  	v9 =	vld [tilespmem:s30+$0x0];
	vm3 =	vgt.f32 v3, $0.0e+00;
	v11 =	vmul.f32 v6, v1;
	vm4 =	vlt.f32 v6, $0.0e+00  }
0x22: {  	v10 =	vld [tilespmem:s30+$0x10];
	vm5 =	vgt.f32 v6, $0.0e+00;
	v16 =	vmul.f32 v14, v1;
	v3 =	vadd.f32 v8, v0  }
0x23: {  	v12 =	vld [tilespmem:s30+$0x20];
	vm2 =	vmor vm3, vm2;
	vm3 =	vlt.f32 v5, $0.0e+00;
	v8 =	vmul.f32 v5, v1  }
0x24: {  	v4 =	vadd.f32 v4, v0;
	v6 =	vadd.f32 v11, v0;
	v11 =	vld [tilespmem:s31+$0x1010];
	v3 =	vnsel vm2, $0x0, v3  }
0x25: {  	vm0 =	vmor vm1, vm0;
	vm2 =	vgt.f32 v5, $0.0e+00;
	v3 =	vsub.f32 v7, v3;
	v7 =	vld [tilespmem:s31+$0x1030]  }
0x26: {  	v5 =	vadd.f32 v8, v0;
	v8 =	vld [tilespmem:s31+$0x1000];
	v4 =	vnsel vm0, $0x0, v4;
	vm0 =	vmor vm5, vm4  }
0x27: {  	vm5 =	vgt.f32 v14, $0.0e+00;
	vm1 =	vmor vm2, vm3;
	v9 =	vsub.f32 v9, v4  }
0x28: {  	v4 =	vnsel vm0, $0x0, v6;
	v13 =	vnsel vm1, $0x0, v5;
	v3 =	vmul.f32 v3, v3  }
0x29: {  	v4 =	vsub.f32 v12, v4;
	v6 =	vsub.f32 v10, v13;
	v10 =	vmul.f32 v11, v1  }
0x2a: {  	v15 =	vld [tilespmem:s31+$0x30];
	v5 =	vadd.f32 v3, v2;
	v3 =	vmul.f32 v9, v9;
	v9 =	vmul.f32 v7, v1  }
0x2b: {  	vm0 =	vlt.f32 v8, $0.0e+00;
	vm1 =	vgt.f32 v8, $0.0e+00;
	v8 =	vmul.f32 v8, v1  }
0x2c: {  	vm2 =	vlt.f32 v7, $0.0e+00;
	vm3 =	vgt.f32 v7, $0.0e+00;
	v7 =	vadd.f32 v9, v0  }
0x2d: {  	vm4 =	vgt.f32 v11, $0.0e+00;
	v13 =	vadd.f32 v10, v0;
	v10 =	vld [tilespmem:s31+$0x10];
	vm3 =	vmor vm3, vm2  }
0x2e: {  	v6 =	vmul.f32 v6, v6;
	v12 =	vadd.f32 v8, v0;
	v9 =	vld [tilespmem:s31+$0x0];
	v7 =	vnsel vm3, $0x0, v7  }
0x2f: {  	vm2 =	vlt.f32 v11, $0.0e+00;
	v11 =	vld [tilespmem:s31+$0x20];
	v8 =	vimm.f32 $0.0e+00;
	v15 =	vsub.f32 v15, v7  }
0x30: {  	s4 =	simm.s32 $0x300;
	s3 =	simm.s32 $0x80;
	vm3 =	vlt.f32 v14, $0.0e+00;
	v14 =	vadd.f32 v16, v0;
	v7 =	vimm.f32 $0.0e+00  }
.LBB2_1:
0x31: {  	p0 =	sne.s32 s4, $0x3F00;
	v16 =	vld [tilespmem:s3+$0x1030];
	vm0 =	vmor vm1, vm0;
	vm1 =	vmor vm4, vm2;
	v15 =	vmul.f32 v15, v15  }
0x32: {  	v17 =	vld [tilespmem:s3+$0x1000];
	v12 =	vnsel vm0, $0x0, v12;
	v13 =	vnsel vm1, $0x0, v13;
	vm0 =	vmor vm5, vm3  }
0x33: {  	v18 =	vld [tilespmem:s3+$0x1010];
	v12 =	vsub.f32 v9, v12;
	v9 =	vnsel vm0, $0x0, v14;
	v5 =	vadd.f32 v15, v5  }
0x34: {  	v10 =	vsub.f32 v10, v13;
	v13 =	vmul.f32 v4, v4;
	v14 =	vld [tilespmem:s3+$0x1020];
	v4 =	vsub.f32 v11, v9  }
0x35: {  	v2 =	vadd.f32 v3, v2;
	v8 =	vadd.f32 v6, v8;
	v9 =	vld [tilespmem:s3+$0x0];
	v3 =	vmul.f32 v12, v12  }
0x36: {  	v6 =	vmul.f32 v10, v10;
	v7 =	vadd.f32 v13, v7;
	v15 =	vld [tilespmem:s3+$0x30];
	v12 =	vmul.f32 v16, v1  }
0x37: {  	vm0 =	vlt.f32 v17, $0.0e+00;
	vm1 =	vgt.f32 v17, $0.0e+00;
	v13 =	vmul.f32 v17, v1;
	v10 =	vld [tilespmem:s3+$0x10]  }
.Ltmp0:
0x38: {  	vm2 =	vlt.f32 v16, $0.0e+00;
	vm3 =	vgt.f32 v16, $0.0e+00;
	v11 =	vld [tilespmem:s3+$0x20];
	v16 =	vadd.f32 v12, v0;
	(pc) =	sbr.rel @p0 .LBB2_1-.Ltmp0, $4  }
0x39: {  	vm3 =	vmor vm3, vm2;
	v17 =	vmul.f32 v18, v1;
	v19 =	vmul.f32 v14, v1  }
0x3a: {  	vm2 =	vlt.f32 v18, $0.0e+00;
	v12 =	vadd.f32 v13, v0;
	v16 =	vnsel vm3, $0x0, v16  }
0x3b: {  	vm4 =	vgt.f32 v18, $0.0e+00;
	v13 =	vadd.f32 v17, v0;
	v15 =	vsub.f32 v15, v16  }
0x3c: {  	s3 =	sshra.s32 s4, $0x2;
	s4 =	sadd.s32 $0x100, s4;
	vm5 =	vgt.f32 v14, $0.0e+00;
	vm3 =	vlt.f32 v14, $0.0e+00;
	v14 =	vadd.f32 v19, v0  }
0x3d: {  	v16 =	vld [tilespmem:s3+$0x1030];
	vm0 =	vmor vm1, vm0;
	vm12 =	vmor vm4, vm2;
	v15 =	vmul.f32 v15, v15  }
0x3e: {  	v17 =	vld [tilespmem:s3+$0x1000];
	vm13 =	vmor vm5, vm3;
	v4 =	vmul.f32 v4, v4;
	v2 =	vadd.f32 v3, v2  }
0x3f: {  	v18 =	vld [tilespmem:s3+$0x1010];
	v49 =	vadd.f32 v6, v8;
	v12 =	vnsel vm0, $0x0, v12;
	v13 =	vnsel vm12, $0x0, v13  }
0x40: {  	v48 =	vld [tilespmem:s3+$0x1020];
	v47 =	vnsel vm13, $0x0, v14;
	v9 =	vsub.f32 v9, v12;
	v10 =	vsub.f32 v10, v13  }
0x41: {  	v5 =	vadd.f32 v15, v5;
	v11 =	vsub.f32 v11, v47  }
0x42: {  	v4 =	vadd.f32 v4, v7;
	v9 =	vmul.f32 v9, v9;
	v51 =	vmul.f32 v10, v10  }
0x43: {  	v63 =	vmul.f32 v11, v11;
	v50 =	vmul.f32 v16, v1;
	vm14 =	vlt.f32 v17, $0.0e+00  }
0x44: {  	v52 =	vld [tilespmem:s3+$0x30];
	vm15 =	vgt.f32 v17, $0.0e+00;
	v53 =	vmul.f32 v17, v1;
	vm8 =	vlt.f32 v16, $0.0e+00  }
0x45: {  	v54 =	vld [tilespmem:s3+$0x0];
	vm9 =	vgt.f32 v16, $0.0e+00;
	v55 =	vmul.f32 v18, v1;
	v56 =	vmul.f32 v48, v1  }
0x46: {  	v57 =	vld [tilespmem:s3+$0x10];
	vm10 =	vlt.f32 v18, $0.0e+00;
	vm11 =	vgt.f32 v18, $0.0e+00;
	vm12 =	vlt.f32 v48, $0.0e+00  }
0x47: {  	v58 =	vld [tilespmem:s3+$0x20];
	vm13 =	vgt.f32 v48, $0.0e+00;
	vm2 =	vmor vm9, vm8;
	v6 =	vadd.f32 v50, v0  }
0x48: {  	vm0 =	vmor vm15, vm14;
	vm14 =	vmor vm11, vm10;
	v13 =	vadd.f32 v55, v0  }
0x49: {  	v7 =	vadd.f32 v53, v0;
	v59 =	vadd.f32 v56, v0;
	v6 =	vnsel vm2, $0x0, v6  }
0x4a: {  	vm15 =	vmor vm13, vm12;
	v62 =	vnsel vm14, $0x0, v13;
	v6 =	vsub.f32 v52, v6  }
0x4b: {  	v61 =	vnsel vm0, $0x0, v7;
	v0 =	vnsel vm15, $0x0, v59;
	v7 =	vsub.f32 v57, v62  }
0x4c: {  	v0 =	vsub.f32 v58, v0;
	v60 =	vmul.f32 v6, v6;
	v6 =	vsub.f32 v54, v61  }
0x4d: {  	v2 =	vadd.f32 v9, v2;
	v3 =	vadd.f32 v51, v49;
	v7 =	vmul.f32 v7, v7  }
0x4e: {  	v4 =	vadd.f32 v63, v4;
	v0 =	vmul.f32 v0, v0;
	v6 =	vmul.f32 v6, v6  }
0x4f: {  	v1 =	vadd.f32 v60, v5;
	v3 =	vadd.f32 v7, v3  }
0x50: {  	v0 =	vadd.f32 v0, v4;
	v2 =	vadd.f32 v6, v2;
	_ =	sdelay $0x1  }
0x51: {  	v0 =	vadd.f32 v1, v0;
	v2 =	vadd.f32 v3, v2;
	_ =	sdelay $0x1  }
0x52: {  	v0 =	vadd.f32 v0, v2  }
0x53: {  	s29 =	sshll.u32 s1, $0x1;
	s30 =	simm.s32 $0x0  }
0x54: {  	s4 =	simm.s32 $0x2100;
	s31 =	simm.s32 $0x4;
	s2 =	sadd.s32 s2, s29;
	[tilespmem:$0x2100] =	vst v0  }
0x55: {  	[hbm4b:s2+s30] =	stream.linear.scatter [tilespmem:s4], [sflag:$0x4], $0x10, $0x38;
	[tilespmem:$0x2180] =	vst v63  }
0x56: {  	_ =	swait.ge [sflag:s31], $0x10  }
0x57: {  	[sflag:s31] =	ssyncset.done $0x0  }
0x58: {  	[sflag:s31] =	ssyncadd.s32 $0xFFFFFFF0  }
0x59: {  	_ =	sfence.sel $0x180000  }
0x5a: {  	[bflag:$0x0] =	sbarrier.arrive $0xFFFF  }
0x5b: {  	p0 =	sne.s32 s1, $0x0;
	_ =	strace $0x90000047  }
0x5c: {  	s0 =	sadd.s32 @!p0 $0x100000, s0;
	[bflag:$0x2] =	sbarrier.arrive $0xFFFF  }
0x5d: {  	[sflag:s0] =	ssyncadd.tile.s32 @!p0 $0x1;
	_ =	shalt  }
.Lfunc_end2:
_tile_overlayer_lowered:
.L_overlay_start_2:
0x5e: {  	(tag) =	ssettag $0x2  }
0x5f: {  	s0 =	rddreg [dreg:$0x0];
	s2 =	stileid.u32  }
0x60: {  	s1 =	rddreg [dreg:$0x1];
	p0 =	sne.s32 s2, $0x0  }
0x61: {  	s3 =	rddreg [dreg:$0x2];
	[bflag:$0x3] =	sbarrier.arrive $0xFFFF;
	s2 =	simm.s32 @!p0 $0x1C04  }
0x62: {  	[timem:s3], [sflag:s2] =	dma.local @!p0 [hbm:s0], s1  }
0x63: {  	s0 =	simm.s32 @!p0 $0x4  }
0x64: {  	_ =	swait.ge @!p0 [sflag:s0], s1  }
0x65: {  	s1 =	ssub.s32 @!p0 $0x0, s1;
	[sflag:s0] =	ssyncset.done @!p0 $0x0  }
0x66: {  	[sflag:s0] =	ssyncadd.s32 @!p0 s1  }
0x67: {  	[bflag:$0x3] =	sbarrier.arrive $0xFFFF  }
0x68: {  	_ =	shalt  }

</sc_bundles>
